<compile_context>
chip_gen: v7x
topology: tpu7x:2x2x1
jax: 0.10.2.dev20260603
libtpu: 0.0.44.dev20260713+nightly
codegen_flags: <defaults>
</compile_context>

<pallas_src>
import functools

import jax
import jax.numpy as jnp
from jax import lax
from jax.experimental import pallas as pl
from jax.experimental.pallas import tpu as pltpu
from jax.experimental.pallas import tpu_sc as plsc

VOCAB = 100000
EMB_DIM = 300
HIDDEN = 128
NUM_CLASSES = 5
BATCH = 4096
SEQ = 200

NC = 2
NS = 16
NW = NC * NS
B_PER_W = BATCH // NW
CHUNK = 100
NCHUNK = SEQ // CHUNK
LANES = 16
ND = HIDDEN // LANES


_PROJ_TM = 2000


def _proj_body(t_ref, w_ref, o_ref):
    o_ref[...] = jnp.dot(t_ref[...], w_ref[...],
                         preferred_element_type=jnp.float32)


def _project_table(table, W1):
    grid = (VOCAB // _PROJ_TM,)
    return pl.pallas_call(
        _proj_body,
        grid=grid,
        in_specs=[
            pl.BlockSpec((_PROJ_TM, EMB_DIM), lambda i: (i, 0)),
            pl.BlockSpec((EMB_DIM, HIDDEN), lambda i: (0, 0)),
        ],
        out_specs=pl.BlockSpec((_PROJ_TM, HIDDEN), lambda i: (i, 0)),
        out_shape=jax.ShapeDtypeStruct((VOCAB, HIDDEN), jnp.float32),
    )(table, W1)


_sc_mesh = plsc.VectorSubcoreMesh(core_axis_name="c", subcore_axis_name="s")


@functools.partial(
    pl.kernel,
    mesh=_sc_mesh,
    out_type=jax.ShapeDtypeStruct((BATCH, HIDDEN), jnp.float32),
    scratch_types=[
        pltpu.VMEM((B_PER_W, NCHUNK, CHUNK), jnp.int32),
        pltpu.VMEM((SEQ, HIDDEN), jnp.float32),
        pltpu.VMEM((B_PER_W, HIDDEN), jnp.float32),
        pltpu.SemaphoreType.DMA,
    ],
)
def _pool_kernel(x_hbm, p_hbm, out_hbm, idx_v, rows_v, pooled_v, sem):
    wid = lax.axis_index("s") * NC + lax.axis_index("c")
    base = wid * B_PER_W
    pltpu.sync_copy(x_hbm.at[pl.ds(base, B_PER_W)], idx_v)

    def item_body(i, carry):
        cps = [
            pltpu.async_copy(
                p_hbm.at[idx_v.at[i, j]],
                rows_v.at[pl.ds(j * CHUNK, CHUNK)],
                sem,
            )
            for j in range(NCHUNK)
        ]
        for cp in cps:
            cp.wait()

        def srow(s, accs):
            return tuple(accs[d] + rows_v[s, pl.ds(d * LANES, LANES)]
                         for d in range(ND))

        zeros = tuple(jnp.zeros((LANES,), jnp.float32) for _ in range(ND))
        accs = lax.fori_loop(0, SEQ, srow, zeros)
        for d in range(ND):
            pooled_v[i, pl.ds(d * LANES, LANES)] = accs[d]
        return carry

    lax.fori_loop(0, B_PER_W, item_body, 0)
    pltpu.sync_copy(pooled_v, out_hbm.at[pl.ds(base, B_PER_W)])


def _mlp_body(p_ref, b1_ref, w2_ref, b2_ref, o_ref):
    h = jnp.maximum(p_ref[...] * (1.0 / SEQ) + b1_ref[...][None, :], 0.0)
    o_ref[...] = jnp.dot(h, w2_ref[...],
                         preferred_element_type=jnp.float32) + b2_ref[...][None, :]


def _mlp_tail(pooled_sum, b1, W2, b2):
    return pl.pallas_call(
        _mlp_body,
        out_shape=jax.ShapeDtypeStruct((BATCH, NUM_CLASSES), jnp.float32),
    )(pooled_sum, b1, W2, b2)


def kernel(x, table, W1, b1, W2, b2):
    proj = _project_table(table, W1)
    x_r = x.reshape(BATCH, NCHUNK, CHUNK)
    pooled_sum = _pool_kernel(x_r, proj)
    return _mlp_tail(pooled_sum, b1, W2, b2)

# --- scband reference (transcript-rebuilt; emitter-appended) ---
"""Pipeline reference for scband-glove-fine-tune-model-54468775248396 (READ-ONLY COPY).

The authoritative reference and input builder live on the scoring server;
editing this copy changes nothing except your own understanding.
"""

import jax, jax.numpy as jnp
import numpy as np

VOCAB = 100000
EMB_DIM = 300
HIDDEN = 128
NUM_CLASSES = 5
BATCH = 4096
SEQ = 200


def setup_inputs(seed: int = 0) -> dict:
    key = jax.random.key(seed)
    k_x, k_tab, k_w1, k_b1, k_w2, k_b2 = jax.random.split(key, 6)
    x = jax.random.randint(k_x, (BATCH, SEQ), 0, VOCAB, dtype=jnp.int64 if jax.config.jax_enable_x64 else jnp.int32).astype(jnp.int32)
    table = jax.random.normal(k_tab, (VOCAB, EMB_DIM), dtype=jnp.float32)
    # nn.Linear default init: U(-1/sqrt(fan_in), 1/sqrt(fan_in))
    lim1 = 1.0 / np.sqrt(EMB_DIM)
    W1 = jax.random.uniform(k_w1, (EMB_DIM, HIDDEN), minval=-lim1, maxval=lim1, dtype=jnp.float32)
    b1 = jax.random.uniform(k_b1, (HIDDEN,), minval=-lim1, maxval=lim1, dtype=jnp.float32)
    lim2 = 1.0 / np.sqrt(HIDDEN)
    W2 = jax.random.uniform(k_w2, (HIDDEN, NUM_CLASSES), minval=-lim2, maxval=lim2, dtype=jnp.float32)
    b2 = jax.random.uniform(k_b2, (NUM_CLASSES,), minval=-lim2, maxval=lim2, dtype=jnp.float32)
    return {"x": x, "table": table, "W1": W1, "b1": b1, "W2": W2, "b2": b2}


def reference(x, table, W1, b1, W2, b2):
    # embedding lookup: [B, S] -> [B, S, D]
    emb = jnp.take(table, x, axis=0)
    # mean over sequence dim
    pooled = emb.mean(axis=1)
    # fc1 + relu
    h = jax.nn.relu(pooled @ W1 + b1)
    # fc2
    out = h @ W2 + b2
    return out

if __name__ == "__main__":
    import jax
    _d = setup_inputs()
    print(jax.jit(kernel)(*tuple(_d.values())))

</pallas_src>

<mosaic_0001>
#map = affine_map<(d0, d1) -> (0, 0, 0)>
#map1 = affine_map<(d0, d1) -> (0, 0)>
module attributes {stable_mosaic.version = 14 : i64} {
  func.func @_pool_kernel(%arg0: i32, %arg1: i32, %arg2: memref<4096x2x100xi32, #tpu.memory_space<hbm>>, %arg3: memref<100000x128xf32, #tpu.memory_space<hbm>>, %arg4: memref<4096x128xf32, #tpu.memory_space<hbm>>, %arg5: memref<128x2x100xi32, #tpu.memory_space<vmem>>, %arg6: memref<200x128xf32, #tpu.memory_space<vmem>>, %arg7: memref<128x128xf32, #tpu.memory_space<vmem>>, %arg8: memref<!tpu.dma_semaphore, #tpu.memory_space<semaphore_mem>>) attributes {dimension_semantics = [#tpu.dimension_semantics<core_parallel>, #tpu.dimension_semantics<subcore_parallel>], iteration_bounds = array<i64: 2, 16>, scalar_prefetch = 0 : i64, scratch_operands = 4 : i64, tpu.core_type = #tpu.core_type<sc_vector_subcore>, window_params = [{transform_indices = #map}, {transform_indices = #map1}, {transform_indices = #map1}]} {
    %mul3A = arith.constant 2 : i32
    %mul3A_0 = arith.muli %arg1, %mul3A : i32
    %add3A = arith.addi %mul3A_0, %arg0 : i32
    %mul3A_1 = arith.constant 128 : i32
    %mul3A_2 = arith.muli %add3A, %mul3A_1 : i32
    "tpu.region"() ({
      %run_scoped3A = tpu.sem_alloc : memref<!tpu.dma_semaphore, #tpu.memory_space<semaphore_mem>>
      %dma_start3A = arith.constant 0 : i32
      %dma_start3A_8 = arith.constant 0 : i32
      %dma_start3A_9 = tpu.memref_slice %arg2[%mul3A_2, %dma_start3A, %dma_start3A_8] : memref<4096x2x100xi32, #tpu.memory_space<hbm>> -> memref<128x2x100xi32, #tpu.memory_space<hbm>>
      %dma_start3A_10 = arith.constant 0 : i32
      %dma_start3A_11 = arith.constant 0 : i32
      %dma_start3A_12 = tpu.memref_slice %arg2[%mul3A_2, %dma_start3A_10, %dma_start3A_11] : memref<4096x2x100xi32, #tpu.memory_space<hbm>> -> memref<128x2x100xi32, #tpu.memory_space<hbm>>
      tpu.enqueue_dma source(%dma_start3A_12 : memref<128x2x100xi32, #tpu.memory_space<hbm>>) target(%arg5 : memref<128x2x100xi32, #tpu.memory_space<vmem>>) target_semaphore(%run_scoped3A : memref<!tpu.dma_semaphore, #tpu.memory_space<semaphore_mem>>)
      %dma_wait3A = arith.constant 0 : i32
      %dma_wait3A_13 = arith.constant 0 : i32
      %dma_wait3A_14 = tpu.memref_slice %arg2[%mul3A_2, %dma_wait3A, %dma_wait3A_13] : memref<4096x2x100xi32, #tpu.memory_space<hbm>> -> memref<128x2x100xi32, #tpu.memory_space<hbm>>
      %dma_wait3A_15 = arith.constant 0 : i32
      %dma_wait3A_16 = arith.constant 0 : i32
      %dma_wait3A_17 = tpu.memref_slice %arg2[%mul3A_2, %dma_wait3A_15, %dma_wait3A_16] : memref<4096x2x100xi32, #tpu.memory_space<hbm>> -> memref<128x2x100xi32, #tpu.memory_space<hbm>>
      tpu.wait_dma2 semaphore(%run_scoped3A : memref<!tpu.dma_semaphore, #tpu.memory_space<semaphore_mem>>) src(%dma_wait3A_17 : memref<128x2x100xi32, #tpu.memory_space<hbm>>) dst(%arg5 : memref<128x2x100xi32, #tpu.memory_space<vmem>>)
      tpu.yield
    }) : () -> ()
    %scan3A = arith.constant 0 : i32
    %scan3A_3 = arith.constant 0 : i32
    %scan3A_4 = arith.constant 128 : i32
    %scan3A_5 = arith.addi %scan3A_3, %scan3A_4 : i32
    %scan3A_6 = arith.constant 1 : i32
    scf.for %scan3A_8 = %scan3A_3 to %scan3A_5 step %scan3A_6  : i32 {
      %dma_start3A = arith.constant 0 : i32
      %dma_start3A_9 = arith.constant 0 : i32
      %dma_start3A_10 = arith.constant 0 : i32
      %dma_start3A_11 = tpu.memref_slice %arg6[%dma_start3A_9, %dma_start3A_10] : memref<200x128xf32, #tpu.memory_space<vmem>> -> memref<100x128xf32, #tpu.memory_space<vmem>>
      %dma_start3A_12 = arith.constant 0 : i32
      %dma_start3A_13 = tpu.memref_slice %arg5[%scan3A_8, %dma_start3A, %dma_start3A_12] : memref<128x2x100xi32, #tpu.memory_space<vmem>> -> memref<1x1x100xi32, #tpu.memory_space<vmem>>
      %dma_start3A_14 = tpu.memref_squeeze %dma_start3A_13 : memref<1x1x100xi32, #tpu.memory_space<vmem>> -> memref<100xi32, #tpu.memory_space<vmem>>
      %dma_start3A_15 = arith.constant 0 : i32
      %dma_start3A_16 = arith.constant 0 : i32
      %dma_start3A_17 = tpu.memref_slice %arg3[%dma_start3A_15, %dma_start3A_16] : memref<100000x128xf32, #tpu.memory_space<hbm>> -> memref<100000x128xf32, #tpu.memory_space<hbm>>
      tpu.enqueue_indirect_dma source(%dma_start3A_17 : memref<100000x128xf32, #tpu.memory_space<hbm>>) target(%dma_start3A_11 : memref<100x128xf32, #tpu.memory_space<vmem>>) offsets(%dma_start3A_14 : memref<100xi32, #tpu.memory_space<vmem>>) semaphore(%arg8 : memref<!tpu.dma_semaphore, #tpu.memory_space<semaphore_mem>>)
      %dma_start3A_18 = arith.constant 1 : i32
      %dma_start3A_19 = arith.constant 100 : i32
      %dma_start3A_20 = arith.constant 0 : i32
      %dma_start3A_21 = tpu.memref_slice %arg6[%dma_start3A_19, %dma_start3A_20] : memref<200x128xf32, #tpu.memory_space<vmem>> -> memref<100x128xf32, #tpu.memory_space<vmem>>
      %dma_start3A_22 = arith.constant 0 : i32
      %dma_start3A_23 = tpu.memref_slice %arg5[%scan3A_8, %dma_start3A_18, %dma_start3A_22] : memref<128x2x100xi32, #tpu.memory_space<vmem>> -> memref<1x1x100xi32, #tpu.memory_space<vmem>>
      %dma_start3A_24 = tpu.memref_squeeze %dma_start3A_23 : memref<1x1x100xi32, #tpu.memory_space<vmem>> -> memref<100xi32, #tpu.memory_space<vmem>>
      %dma_start3A_25 = arith.constant 0 : i32
      %dma_start3A_26 = arith.constant 0 : i32
      %dma_start3A_27 = tpu.memref_slice %arg3[%dma_start3A_25, %dma_start3A_26] : memref<100000x128xf32, #tpu.memory_space<hbm>> -> memref<100000x128xf32, #tpu.memory_space<hbm>>
      tpu.enqueue_indirect_dma source(%dma_start3A_27 : memref<100000x128xf32, #tpu.memory_space<hbm>>) target(%dma_start3A_21 : memref<100x128xf32, #tpu.memory_space<vmem>>) offsets(%dma_start3A_24 : memref<100xi32, #tpu.memory_space<vmem>>) semaphore(%arg8 : memref<!tpu.dma_semaphore, #tpu.memory_space<semaphore_mem>>)
      %dma_wait3A = arith.constant 0 : i32
      %dma_wait3A_28 = arith.constant 0 : i32
      %dma_wait3A_29 = arith.constant 0 : i32
      %dma_wait3A_30 = tpu.memref_slice %arg6[%dma_wait3A_28, %dma_wait3A_29] : memref<200x128xf32, #tpu.memory_space<vmem>> -> memref<100x128xf32, #tpu.memory_space<vmem>>
      %dma_wait3A_31 = arith.constant 0 : i32
      %dma_wait3A_32 = tpu.memref_slice %arg5[%scan3A_8, %dma_wait3A, %dma_wait3A_31] : memref<128x2x100xi32, #tpu.memory_space<vmem>> -> memref<1x1x100xi32, #tpu.memory_space<vmem>>
      %dma_wait3A_33 = tpu.memref_squeeze %dma_wait3A_32 : memref<1x1x100xi32, #tpu.memory_space<vmem>> -> memref<100xi32, #tpu.memory_space<vmem>>
      %dma_wait3A_34 = arith.constant 0 : i32
      %dma_wait3A_35 = arith.constant 0 : i32
      %dma_wait3A_36 = tpu.memref_slice %arg3[%dma_wait3A_34, %dma_wait3A_35] : memref<100000x128xf32, #tpu.memory_space<hbm>> -> memref<100000x128xf32, #tpu.memory_space<hbm>>
      tpu.wait_indirect_dma semaphore(%arg8 : memref<!tpu.dma_semaphore, #tpu.memory_space<semaphore_mem>>) src(%dma_wait3A_36 : memref<100000x128xf32, #tpu.memory_space<hbm>>) dst(%dma_wait3A_30 : memref<100x128xf32, #tpu.memory_space<vmem>>)
      %dma_wait3A_37 = arith.constant 1 : i32
      %dma_wait3A_38 = arith.constant 100 : i32
      %dma_wait3A_39 = arith.constant 0 : i32
      %dma_wait3A_40 = tpu.memref_slice %arg6[%dma_wait3A_38, %dma_wait3A_39] : memref<200x128xf32, #tpu.memory_space<vmem>> -> memref<100x128xf32, #tpu.memory_space<vmem>>
      %dma_wait3A_41 = arith.constant 0 : i32
      %dma_wait3A_42 = tpu.memref_slice %arg5[%scan3A_8, %dma_wait3A_37, %dma_wait3A_41] : memref<128x2x100xi32, #tpu.memory_space<vmem>> -> memref<1x1x100xi32, #tpu.memory_space<vmem>>
      %dma_wait3A_43 = tpu.memref_squeeze %dma_wait3A_42 : memref<1x1x100xi32, #tpu.memory_space<vmem>> -> memref<100xi32, #tpu.memory_space<vmem>>
      %dma_wait3A_44 = arith.constant 0 : i32
      %dma_wait3A_45 = arith.constant 0 : i32
      %dma_wait3A_46 = tpu.memref_slice %arg3[%dma_wait3A_44, %dma_wait3A_45] : memref<100000x128xf32, #tpu.memory_space<hbm>> -> memref<100000x128xf32, #tpu.memory_space<hbm>>
      tpu.wait_indirect_dma semaphore(%arg8 : memref<!tpu.dma_semaphore, #tpu.memory_space<semaphore_mem>>) src(%dma_wait3A_46 : memref<100000x128xf32, #tpu.memory_space<hbm>>) dst(%dma_wait3A_40 : memref<100x128xf32, #tpu.memory_space<vmem>>)
      %broadcast_in_dim3A = arith.constant 0.000000e+00 : f32
      %broadcast_in_dim3A_47 = vector.broadcast %broadcast_in_dim3A : f32 to vector<16xf32>
      %broadcast_in_dim3A_48 = arith.constant 0.000000e+00 : f32
      %broadcast_in_dim3A_49 = vector.broadcast %broadcast_in_dim3A_48 : f32 to vector<16xf32>
      %broadcast_in_dim3A_50 = arith.constant 0.000000e+00 : f32
      %broadcast_in_dim3A_51 = vector.broadcast %broadcast_in_dim3A_50 : f32 to vector<16xf32>
      %broadcast_in_dim3A_52 = arith.constant 0.000000e+00 : f32
      %broadcast_in_dim3A_53 = vector.broadcast %broadcast_in_dim3A_52 : f32 to vector<16xf32>
      %broadcast_in_dim3A_54 = arith.constant 0.000000e+00 : f32
      %broadcast_in_dim3A_55 = vector.broadcast %broadcast_in_dim3A_54 : f32 to vector<16xf32>
      %broadcast_in_dim3A_56 = arith.constant 0.000000e+00 : f32
      %broadcast_in_dim3A_57 = vector.broadcast %broadcast_in_dim3A_56 : f32 to vector<16xf32>
      %broadcast_in_dim3A_58 = arith.constant 0.000000e+00 : f32
      %broadcast_in_dim3A_59 = vector.broadcast %broadcast_in_dim3A_58 : f32 to vector<16xf32>
      %broadcast_in_dim3A_60 = arith.constant 0.000000e+00 : f32
      %broadcast_in_dim3A_61 = vector.broadcast %broadcast_in_dim3A_60 : f32 to vector<16xf32>
      %scan3A_62 = arith.constant 0 : i32
      %scan3A_63 = arith.constant 200 : i32
      %scan3A_64 = arith.addi %scan3A_62, %scan3A_63 : i32
      %scan3A_65 = arith.constant 1 : i32
      %scan3A_66:8 = scf.for %scan3A_107 = %scan3A_62 to %scan3A_64 step %scan3A_65 iter_args(%scan3A_108 = %broadcast_in_dim3A_47, %scan3A_109 = %broadcast_in_dim3A_49, %scan3A_110 = %broadcast_in_dim3A_51, %scan3A_111 = %broadcast_in_dim3A_53, %scan3A_112 = %broadcast_in_dim3A_55, %scan3A_113 = %broadcast_in_dim3A_57, %scan3A_114 = %broadcast_in_dim3A_59, %scan3A_115 = %broadcast_in_dim3A_61) -> (vector<16xf32>, vector<16xf32>, vector<16xf32>, vector<16xf32>, vector<16xf32>, vector<16xf32>, vector<16xf32>, vector<16xf32>)  : i32 {
        %get3A = arith.index_cast %scan3A_107 : i32 to index
        %get3A_116 = arith.constant 0 : index
        %get3A_117 = tpu.vector_load %arg6[%get3A, %get3A_116] {strides = array<i32>} : memref<200x128xf32, #tpu.memory_space<vmem>>, vector<1x16xf32>,
        %get3A_118 = vector.shape_cast %get3A_117 : vector<1x16xf32> to vector<16xf32>
        %add3A_119 = arith.addf %scan3A_108, %get3A_118 : vector<16xf32>
        %get3A_120 = arith.index_cast %scan3A_107 : i32 to index
        %get3A_121 = arith.constant 16 : index
        %get3A_122 = tpu.vector_load %arg6[%get3A_120, %get3A_121] {strides = array<i32>} : memref<200x128xf32, #tpu.memory_space<vmem>>, vector<1x16xf32>,
        %get3A_123 = vector.shape_cast %get3A_122 : vector<1x16xf32> to vector<16xf32>
        %add3A_124 = arith.addf %scan3A_109, %get3A_123 : vector<16xf32>
        %get3A_125 = arith.index_cast %scan3A_107 : i32 to index
        %get3A_126 = arith.constant 32 : index
        %get3A_127 = tpu.vector_load %arg6[%get3A_125, %get3A_126] {strides = array<i32>} : memref<200x128xf32, #tpu.memory_space<vmem>>, vector<1x16xf32>,
        %get3A_128 = vector.shape_cast %get3A_127 : vector<1x16xf32> to vector<16xf32>
        %add3A_129 = arith.addf %scan3A_110, %get3A_128 : vector<16xf32>
        %get3A_130 = arith.index_cast %scan3A_107 : i32 to index
        %get3A_131 = arith.constant 48 : index
        %get3A_132 = tpu.vector_load %arg6[%get3A_130, %get3A_131] {strides = array<i32>} : memref<200x128xf32, #tpu.memory_space<vmem>>, vector<1x16xf32>,
        %get3A_133 = vector.shape_cast %get3A_132 : vector<1x16xf32> to vector<16xf32>
        %add3A_134 = arith.addf %scan3A_111, %get3A_133 : vector<16xf32>
        %get3A_135 = arith.index_cast %scan3A_107 : i32 to index
        %get3A_136 = arith.constant 64 : index
        %get3A_137 = tpu.vector_load %arg6[%get3A_135, %get3A_136] {strides = array<i32>} : memref<200x128xf32, #tpu.memory_space<vmem>>, vector<1x16xf32>,
        %get3A_138 = vector.shape_cast %get3A_137 : vector<1x16xf32> to vector<16xf32>
        %add3A_139 = arith.addf %scan3A_112, %get3A_138 : vector<16xf32>
        %get3A_140 = arith.index_cast %scan3A_107 : i32 to index
        %get3A_141 = arith.constant 80 : index
        %get3A_142 = tpu.vector_load %arg6[%get3A_140, %get3A_141] {strides = array<i32>} : memref<200x128xf32, #tpu.memory_space<vmem>>, vector<1x16xf32>,
        %get3A_143 = vector.shape_cast %get3A_142 : vector<1x16xf32> to vector<16xf32>
        %add3A_144 = arith.addf %scan3A_113, %get3A_143 : vector<16xf32>
        %get3A_145 = arith.index_cast %scan3A_107 : i32 to index
        %get3A_146 = arith.constant 96 : index
        %get3A_147 = tpu.vector_load %arg6[%get3A_145, %get3A_146] {strides = array<i32>} : memref<200x128xf32, #tpu.memory_space<vmem>>, vector<1x16xf32>,
        %get3A_148 = vector.shape_cast %get3A_147 : vector<1x16xf32> to vector<16xf32>
        %add3A_149 = arith.addf %scan3A_114, %get3A_148 : vector<16xf32>
        %get3A_150 = arith.index_cast %scan3A_107 : i32 to index
        %get3A_151 = arith.constant 112 : index
        %get3A_152 = tpu.vector_load %arg6[%get3A_150, %get3A_151] {strides = array<i32>} : memref<200x128xf32, #tpu.memory_space<vmem>>, vector<1x16xf32>,
        %get3A_153 = vector.shape_cast %get3A_152 : vector<1x16xf32> to vector<16xf32>
        %add3A_154 = arith.addf %scan3A_115, %get3A_153 : vector<16xf32>
        scf.yield %add3A_119, %add3A_124, %add3A_129, %add3A_134, %add3A_139, %add3A_144, %add3A_149, %add3A_154 : vector<16xf32>, vector<16xf32>, vector<16xf32>, vector<16xf32>, vector<16xf32>, vector<16xf32>, vector<16xf32>, vector<16xf32>
      }
      %scan3A_67 = arith.constant 200 : i32
      %swap3A = arith.index_cast %scan3A_8 : i32 to index
      %swap3A_68 = arith.constant 0 : index
      %swap3A_69 = tpu.vector_load %arg7[%swap3A, %swap3A_68] {strides = array<i32>} : memref<128x128xf32, #tpu.memory_space<vmem>>, vector<1x16xf32>,
      %swap3A_70 = vector.shape_cast %swap3A_69 : vector<1x16xf32> to vector<16xf32>
      %swap3A_71 = vector.shape_cast %scan3A_66#0 : vector<16xf32> to vector<1x16xf32>
      tpu.vector_store %arg7[%swap3A, %swap3A_68], %swap3A_71 {strides = array<i32>} : memref<128x128xf32, #tpu.memory_space<vmem>>, vector<1x16xf32>,
      %swap3A_72 = arith.index_cast %scan3A_8 : i32 to index
      %swap3A_73 = arith.constant 16 : index
      %swap3A_74 = tpu.vector_load %arg7[%swap3A_72, %swap3A_73] {strides = array<i32>} : memref<128x128xf32, #tpu.memory_space<vmem>>, vector<1x16xf32>,
      %swap3A_75 = vector.shape_cast %swap3A_74 : vector<1x16xf32> to vector<16xf32>
      %swap3A_76 = vector.shape_cast %scan3A_66#1 : vector<16xf32> to vector<1x16xf32>
      tpu.vector_store %arg7[%swap3A_72, %swap3A_73], %swap3A_76 {strides = array<i32>} : memref<128x128xf32, #tpu.memory_space<vmem>>, vector<1x16xf32>,
      %swap3A_77 = arith.index_cast %scan3A_8 : i32 to index
      %swap3A_78 = arith.constant 32 : index
      %swap3A_79 = tpu.vector_load %arg7[%swap3A_77, %swap3A_78] {strides = array<i32>} : memref<128x128xf32, #tpu.memory_space<vmem>>, vector<1x16xf32>,
      %swap3A_80 = vector.shape_cast %swap3A_79 : vector<1x16xf32> to vector<16xf32>
      %swap3A_81 = vector.shape_cast %scan3A_66#2 : vector<16xf32> to vector<1x16xf32>
      tpu.vector_store %arg7[%swap3A_77, %swap3A_78], %swap3A_81 {strides = array<i32>} : memref<128x128xf32, #tpu.memory_space<vmem>>, vector<1x16xf32>,
      %swap3A_82 = arith.index_cast %scan3A_8 : i32 to index
      %swap3A_83 = arith.constant 48 : index
      %swap3A_84 = tpu.vector_load %arg7[%swap3A_82, %swap3A_83] {strides = array<i32>} : memref<128x128xf32, #tpu.memory_space<vmem>>, vector<1x16xf32>,
      %swap3A_85 = vector.shape_cast %swap3A_84 : vector<1x16xf32> to vector<16xf32>
      %swap3A_86 = vector.shape_cast %scan3A_66#3 : vector<16xf32> to vector<1x16xf32>
      tpu.vector_store %arg7[%swap3A_82, %swap3A_83], %swap3A_86 {strides = array<i32>} : memref<128x128xf32, #tpu.memory_space<vmem>>, vector<1x16xf32>,
      %swap3A_87 = arith.index_cast %scan3A_8 : i32 to index
      %swap3A_88 = arith.constant 64 : index
      %swap3A_89 = tpu.vector_load %arg7[%swap3A_87, %swap3A_88] {strides = array<i32>} : memref<128x128xf32, #tpu.memory_space<vmem>>, vector<1x16xf32>,
      %swap3A_90 = vector.shape_cast %swap3A_89 : vector<1x16xf32> to vector<16xf32>
      %swap3A_91 = vector.shape_cast %scan3A_66#4 : vector<16xf32> to vector<1x16xf32>
      tpu.vector_store %arg7[%swap3A_87, %swap3A_88], %swap3A_91 {strides = array<i32>} : memref<128x128xf32, #tpu.memory_space<vmem>>, vector<1x16xf32>,
      %swap3A_92 = arith.index_cast %scan3A_8 : i32 to index
      %swap3A_93 = arith.constant 80 : index
      %swap3A_94 = tpu.vector_load %arg7[%swap3A_92, %swap3A_93] {strides = array<i32>} : memref<128x128xf32, #tpu.memory_space<vmem>>, vector<1x16xf32>,
      %swap3A_95 = vector.shape_cast %swap3A_94 : vector<1x16xf32> to vector<16xf32>
      %swap3A_96 = vector.shape_cast %scan3A_66#5 : vector<16xf32> to vector<1x16xf32>
      tpu.vector_store %arg7[%swap3A_92, %swap3A_93], %swap3A_96 {strides = array<i32>} : memref<128x128xf32, #tpu.memory_space<vmem>>, vector<1x16xf32>,
      %swap3A_97 = arith.index_cast %scan3A_8 : i32 to index
      %swap3A_98 = arith.constant 96 : index
      %swap3A_99 = tpu.vector_load %arg7[%swap3A_97, %swap3A_98] {strides = array<i32>} : memref<128x128xf32, #tpu.memory_space<vmem>>, vector<1x16xf32>,
      %swap3A_100 = vector.shape_cast %swap3A_99 : vector<1x16xf32> to vector<16xf32>
      %swap3A_101 = vector.shape_cast %scan3A_66#6 : vector<16xf32> to vector<1x16xf32>
      tpu.vector_store %arg7[%swap3A_97, %swap3A_98], %swap3A_101 {strides = array<i32>} : memref<128x128xf32, #tpu.memory_space<vmem>>, vector<1x16xf32>,
      %swap3A_102 = arith.index_cast %scan3A_8 : i32 to index
      %swap3A_103 = arith.constant 112 : index
      %swap3A_104 = tpu.vector_load %arg7[%swap3A_102, %swap3A_103] {strides = array<i32>} : memref<128x128xf32, #tpu.memory_space<vmem>>, vector<1x16xf32>,
      %swap3A_105 = vector.shape_cast %swap3A_104 : vector<1x16xf32> to vector<16xf32>
      %swap3A_106 = vector.shape_cast %scan3A_66#7 : vector<16xf32> to vector<1x16xf32>
      tpu.vector_store %arg7[%swap3A_102, %swap3A_103], %swap3A_106 {strides = array<i32>} : memref<128x128xf32, #tpu.memory_space<vmem>>, vector<1x16xf32>,
    }
    %scan3A_7 = arith.constant 128 : i32
    "tpu.region"() ({
      %run_scoped3A = tpu.sem_alloc : memref<!tpu.dma_semaphore, #tpu.memory_space<semaphore_mem>>
      %dma_start3A = arith.constant 0 : i32
      %dma_start3A_8 = tpu.memref_slice %arg4[%mul3A_2, %dma_start3A] : memref<4096x128xf32, #tpu.memory_space<hbm>> -> memref<128x128xf32, #tpu.memory_space<hbm>>
      %dma_start3A_9 = arith.constant 0 : i32
      %dma_start3A_10 = tpu.memref_slice %arg4[%mul3A_2, %dma_start3A_9] : memref<4096x128xf32, #tpu.memory_space<hbm>> -> memref<128x128xf32, #tpu.memory_space<hbm>>
      tpu.enqueue_dma source(%arg7 : memref<128x128xf32, #tpu.memory_space<vmem>>) target(%dma_start3A_10 : memref<128x128xf32, #tpu.memory_space<hbm>>) target_semaphore(%run_scoped3A : memref<!tpu.dma_semaphore, #tpu.memory_space<semaphore_mem>>)
      %dma_wait3A = arith.constant 0 : i32
      %dma_wait3A_11 = tpu.memref_slice %arg4[%mul3A_2, %dma_wait3A] : memref<4096x128xf32, #tpu.memory_space<hbm>> -> memref<128x128xf32, #tpu.memory_space<hbm>>
      %dma_wait3A_12 = arith.constant 0 : i32
      %dma_wait3A_13 = tpu.memref_slice %arg4[%mul3A_2, %dma_wait3A_12] : memref<4096x128xf32, #tpu.memory_space<hbm>> -> memref<128x128xf32, #tpu.memory_space<hbm>>
      tpu.wait_dma2 semaphore(%run_scoped3A : memref<!tpu.dma_semaphore, #tpu.memory_space<semaphore_mem>>) src(%arg7 : memref<128x128xf32, #tpu.memory_space<vmem>>) dst(%dma_wait3A_13 : memref<128x128xf32, #tpu.memory_space<hbm>>)
      tpu.yield
    }) : () -> ()
    return
  }
}

module attributes {stable_mosaic.version = 14 : i64} {
  func.func @_proj_body(%arg0: i32, %arg1: memref<2000x300xf32, #tpu.memory_space<vmem>>, %arg2: memref<300x128xf32, #tpu.memory_space<vmem>>, %arg3: memref<2000x128xf32, #tpu.memory_space<vmem>>) attributes {dimension_semantics = [#tpu.dimension_semantics<arbitrary>], iteration_bounds = array<i64: 50>, scalar_prefetch = 0 : i64, scratch_operands = 0 : i64, tpu.core_type = #tpu.core_type<tc>, window_params = [{transform_indices = @transform_0, window_bounds = array<i64: 2000, 300>}, {pipeline_mode = #tpu.pipeline_mode<synchronous>, transform_indices = @transform_1, window_bounds = array<i64: 300, 128>}, {transform_indices = @transform_2, window_bounds = array<i64: 2000, 128>}]} {
    %get3A = arith.constant 0 : index
    %get3A_0 = arith.constant 0 : index
    %get3A_1 = vector.load %arg1[%get3A, %get3A_0] : memref<2000x300xf32, #tpu.memory_space<vmem>>, vector<2000x300xf32>
    %get3A_2 = arith.constant 0 : index
    %get3A_3 = arith.constant 0 : index
    %get3A_4 = vector.load %arg2[%get3A_2, %get3A_3] : memref<300x128xf32, #tpu.memory_space<vmem>>, vector<300x128xf32>
    %dot_general3A = arith.constant dense<0.000000e+00> : vector<2000x128xf32>
    %dot_general3A_5 = tpu.matmul %get3A_1, %get3A_4, %dot_general3A {dimension_numbers = #tpu.dot_dimension_numbers<[1], [0], [0], [1], [0, 0, 1, 1], [], []>, transpose_lhs_hint = false} : vector<2000x300xf32>, vector<300x128xf32>, vector<2000x128xf32> -> vector<2000x128xf32>
    %swap3A = arith.constant 0 : index
    %swap3A_6 = arith.constant 0 : index
    %swap3A_7 = vector.load %arg3[%swap3A, %swap3A_6] : memref<2000x128xf32, #tpu.memory_space<vmem>>, vector<2000x128xf32>
    tpu.vector_store %arg3[%swap3A, %swap3A_6], %dot_general3A_5 {strides = array<i32>} : memref<2000x128xf32, #tpu.memory_space<vmem>>, vector<2000x128xf32>,
    return
  }
  func.func @transform_0(%arg0: i32) -> (i32, i32) {
    %c0_i32 = arith.constant 0 : i32
    %c0_i32_0 = arith.constant 0 : i32
    return %arg0, %c0_i32 : i32, i32
  }
  func.func @transform_1(%arg0: i32) -> (i32, i32) {
    %c0_i32 = arith.constant 0 : i32
    %c0_i32_0 = arith.constant 0 : i32
    %c0_i32_1 = arith.constant 0 : i32
    return %c0_i32, %c0_i32_0 : i32, i32
  }
  func.func @transform_2(%arg0: i32) -> (i32, i32) {
    %c0_i32 = arith.constant 0 : i32
    %c0_i32_0 = arith.constant 0 : i32
    return %arg0, %c0_i32 : i32, i32
  }
}

module attributes {stable_mosaic.version = 14 : i64} {
  func.func @_mlp_body(%arg0: memref<4096x128xf32, #tpu.memory_space<vmem>>, %arg1: memref<128xf32, #tpu.memory_space<vmem>>, %arg2: memref<128x5xf32, #tpu.memory_space<vmem>>, %arg3: memref<5xf32, #tpu.memory_space<vmem>>, %arg4: memref<4096x5xf32, #tpu.memory_space<vmem>>) attributes {dimension_semantics = [], scalar_prefetch = 0 : i64, scratch_operands = 0 : i64, tpu.core_type = #tpu.core_type<tc>} {
    %get3A = arith.constant 0 : index
    %get3A_0 = arith.constant 0 : index
    %get3A_1 = vector.load %arg0[%get3A, %get3A_0] : memref<4096x128xf32, #tpu.memory_space<vmem>>, vector<4096x128xf32>
    %mul3A = arith.constant 5.000000e-03 : f32
    %mul3A_2 = vector.broadcast %mul3A : f32 to vector<4096x128xf32>
    %mul3A_3 = arith.mulf %get3A_1, %mul3A_2 : vector<4096x128xf32>
    %get3A_4 = arith.constant 0 : index
    %get3A_5 = vector.load %arg1[%get3A_4] : memref<128xf32, #tpu.memory_space<vmem>>, vector<128xf32>
    %broadcast_in_dim3A = vector.shape_cast %get3A_5 : vector<128xf32> to vector<1x128xf32>
    %add3A = vector.broadcast %broadcast_in_dim3A : vector<1x128xf32> to vector<4096x128xf32>
    %add3A_6 = arith.addf %mul3A_3, %add3A : vector<4096x128xf32>
    %max3A = arith.constant 0.000000e+00 : f32
    %max3A_7 = vector.broadcast %max3A : f32 to vector<4096x128xf32>
    %max3A_8 = arith.maximumf %add3A_6, %max3A_7 : vector<4096x128xf32>
    %get3A_9 = arith.constant 0 : index
    %get3A_10 = arith.constant 0 : index
    %get3A_11 = vector.load %arg2[%get3A_9, %get3A_10] : memref<128x5xf32, #tpu.memory_space<vmem>>, vector<128x5xf32>
    %dot_general3A = arith.constant dense<0.000000e+00> : vector<4096x5xf32>
    %dot_general3A_12 = tpu.matmul %max3A_8, %get3A_11, %dot_general3A {dimension_numbers = #tpu.dot_dimension_numbers<[1], [0], [0], [1], [0, 0, 1, 1], [], []>, transpose_lhs_hint = false} : vector<4096x128xf32>, vector<128x5xf32>, vector<4096x5xf32> -> vector<4096x5xf32>
    %get3A_13 = arith.constant 0 : index
    %get3A_14 = vector.load %arg3[%get3A_13] : memref<5xf32, #tpu.memory_space<vmem>>, vector<5xf32>
    %broadcast_in_dim3A_15 = vector.shape_cast %get3A_14 : vector<5xf32> to vector<1x5xf32>
    %add3A_16 = vector.broadcast %broadcast_in_dim3A_15 : vector<1x5xf32> to vector<4096x5xf32>
    %add3A_17 = arith.addf %dot_general3A_12, %add3A_16 : vector<4096x5xf32>
    %swap3A = arith.constant 0 : index
    %swap3A_18 = arith.constant 0 : index
    %swap3A_19 = vector.load %arg4[%swap3A, %swap3A_18] : memref<4096x5xf32, #tpu.memory_space<vmem>>, vector<4096x5xf32>
    tpu.vector_store %arg4[%swap3A, %swap3A_18], %add3A_17 {strides = array<i32>} : memref<4096x5xf32, #tpu.memory_space<vmem>>, vector<4096x5xf32>,
    return
  }
}

</mosaic_0001>

<sc_bundles>
// kernel: kernel.5.cloned.1.call-start
scs
__scs_entry_jumppad:
0x0: {  	(pc) =	sbr.rel $0x88, $3  }
0x1: {  	(tag) =	ssettag $0x0;
	lr =	simm.s32 $0x1  }
0x2: {  	[smem:$0x3F9B] =	sst lr;
	_ =	strace $0xD0000000  }
0x3: {  	_ = 	snop  }
0x4: {  	_ = 	snop  }
0x5: {  	_ = 	snop  }
0x6: {  	_ = 	snop  }
0x7: {  	_ = 	snop  }
__scs_overlays_trampoline_lowered:
0x8: {  	[smem:$0x3FAA] =	sst s0  }
0x9: {  	[smem:$0x3FAB] =	sst s1  }
0xa: {  	[smem:$0x3FAC] =	sst s2  }
0xb: {  	[smem:$0x3FAD] =	sst s3  }
0xc: {  	[smem:$0x3FAE] =	sst s4  }
0xd: {  	[smem:$0x3FAF] =	sst s5  }
0xe: {  	[smem:$0x3FB0] =	sst s6  }
0xf: {  	[smem:$0x3FB1] =	sst s7  }
0x10: {  	[smem:$0x3FB2] =	sst s8  }
0x11: {  	[smem:$0x3FB3] =	sst s9;
	s0 =	simm.s32 @!p0 $0x0  }
0x12: {  	s1 =	sld [smem:$0x3F99];
	s0 =	simm.s32 @p0 $0x1  }
0x13: {  	[smem:$0x3FB4] =	sst s0;
	s0 =	simm.s32 @!p1 $0x0  }
0x14: {  	s2 =	sld [smem:$0x3F98];
	s0 =	simm.s32 @p1 $0x1  }
0x15: {  	[smem:$0x3FB5] =	sst s0;
	s0 =	simm.s32 @!p2 $0x0  }
0x16: {  	s3 =	sld [smem:$0x3FDB];
	s0 =	simm.s32 @p2 $0x1  }
0x17: {  	s4 =	simm.s32 $0x1BF5;
	[smem:$0x3FB7] =	sst s0  }
0x18: {  	s0 =	sld [smem:$0x3F9A];
	_ =	swait.ge [sflag:s4], $0x0  }
0x19: {  	s7 =	sld [smem:$0x3F9B]  }
0x1a: {  	s8 =	sadd.s32 $0xFFFFE003, lr  }
0x1b: {  	s9 =	sadd.s32 $0xFFFFFEF7, lr;
	s5 =	simm.s32 $0xFFFFFFFF;
	p2 =	slt.u32 s8, $0xFFFFF086  }
0x1c: {  	p1 =	slt.u32 s9, $0xF7A;
	s5 =	simm.s32 @!p2 $0x0  }
0x1d: {  	s5 =	simm.s32 @p1 $0x1;
	p0 =	seq.s32 s7, s2  }
0x1e: {  	s7 =	smul.u32 @!p0 $0xF7A, s2;
	p2 =	seq.s32 @!p0 s5, $0x0  }
0x1f: {  	s9 =	smul.u32 $0xF7A, s1;
	s8 =	simm.s32 @!p0 $0x1BF5;
	p2 =	por !p2, p0  }
0x20: {  	[sflag:s8] =	ssyncset.s32 @!p0 $0xFFFFF086;
	s6 =	sadd.s32 @!p0 s3, s7;
	s7 =	simm.s32 @!p0 $0x108  }
0x21: {  	s3 =	sadd.s32 s3, s9;
	s6 =	sadd.s32 @!p0 $0x88, s6;
	s7 =	simm.s32 @p2 $0x1082  }
0x22: {  	[simem:s7], [sflag:s8] =	dma.local @!p0 [hbm:s6], $0xF7A  }
0x23: {  	s9 =	sor.u32 $0xD0000000, s2;
	s6 =	simm.s32 $0x108;
	_ =	swait.ge @!p0 [sflag:s8], $0x0  }
0x24: {  	s3 =	sadd.s32 $0x88, s3;
	s6 =	simm.s32 @!p1 $0x1082;
	[sflag:s4] =	ssyncset.s32 $0xFFFFF086  }
0x25: {  	[simem:s6], [sflag:s4] =	dma.local [hbm:s3], $0xF7A  }
0x26: {  	[smem:$0x3F9B] =	sst s1;
	(tag) =	ssettag s2;
	_ =	strace s9  }
0x27: {  	s1 =	sld [smem:$0x3FAB]  }
0x28: {  	s2 =	sld [smem:$0x3FAC]  }
0x29: {  	s4 =	sld [smem:$0x3FAE]  }
0x2a: {  	p0 =	seq.s32 s5, $0x0;
	s5 =	sld [smem:$0x3FAF]  }
0x2b: {  	s6 =	sld [smem:$0x3FB0]  }
0x2c: {  	s7 =	sld [smem:$0x3FB1]  }
0x2d: {  	s3 =	simm.s32 $0x108;
	s8 =	sld [smem:$0x3FB2]  }
0x2e: {  	s3 =	simm.s32 @!p0 $0x1082;
	s9 =	sld [smem:$0x3FB3]  }
0x2f: {  	lr =	sadd.s32 s0, s3;
	s0 =	sld [smem:$0x3FAA]  }
0x30: {  	s3 =	sld [smem:$0x3FAD]  }
0x31: {  	[smem:$0x3FB6] =	sst s10  }
0x32: {  	s10 =	sld [smem:$0x3FB4];
	_ =	sdelay $0x3  }
0x33: {  	p0 =	seq.s32 s10, $0x1;
	s10 =	sld [smem:$0x3FB6];
	_ =	sdelay $0x3  }
0x34: {  	[smem:$0x3FB6] =	sst s10  }
0x35: {  	s10 =	sld [smem:$0x3FB5];
	_ =	sdelay $0x3  }
0x36: {  	p1 =	seq.s32 s10, $0x1;
	s10 =	sld [smem:$0x3FB6];
	_ =	sdelay $0x3  }
0x37: {  	[smem:$0x3FB6] =	sst s10  }
0x38: {  	s10 =	sld [smem:$0x3FB7]  }
0x39: {  	_ = 	snop;
	(pc) =	sbr.ind lr, $3  }
0x3a: {  	_ = 	snop  }
0x3b: {  	_ = 	snop  }
0x3c: {  	p2 =	seq.s32 s10, $0x1;
	s10 =	sld [smem:$0x3FB6]  }
0x3d: {  	_ =	shalt  }
0x3e: {  	_ =	shalt  }
0x3f: {  	_ =	shalt  }
0x40: {  	_ =	shalt  }
0x41: {  	_ =	shalt  }
0x42: {  	_ =	shalt  }
0x43: {  	_ =	shalt  }
0x44: {  	_ =	shalt  }
0x45: {  	_ =	shalt  }
0x46: {  	_ =	shalt  }
0x47: {  	_ =	shalt  }
0x48: {  	_ =	shalt  }
0x49: {  	_ =	shalt  }
0x4a: {  	_ =	shalt  }
0x4b: {  	_ =	shalt  }
0x4c: {  	_ =	shalt  }
0x4d: {  	_ =	shalt  }
0x4e: {  	_ =	shalt  }
0x4f: {  	_ =	shalt  }
0x50: {  	_ =	shalt  }
0x51: {  	_ =	shalt  }
0x52: {  	_ =	shalt  }
0x53: {  	_ =	shalt  }
0x54: {  	_ =	shalt  }
0x55: {  	_ =	shalt  }
0x56: {  	_ =	shalt  }
0x57: {  	_ =	shalt  }
0x58: {  	_ =	shalt  }
0x59: {  	_ =	shalt  }
0x5a: {  	_ =	shalt  }
0x5b: {  	_ =	shalt  }
0x5c: {  	_ =	shalt  }
0x5d: {  	_ =	shalt  }
0x5e: {  	_ =	shalt  }
0x5f: {  	_ =	shalt  }
0x60: {  	_ =	shalt  }
0x61: {  	_ =	shalt  }
0x62: {  	_ =	shalt  }
0x63: {  	_ =	shalt  }
0x64: {  	_ =	shalt  }
0x65: {  	_ =	shalt  }
0x66: {  	_ =	shalt  }
0x67: {  	_ =	shalt  }
0x68: {  	_ =	shalt  }
0x69: {  	_ =	shalt  }
0x6a: {  	_ =	shalt  }
0x6b: {  	_ =	shalt  }
0x6c: {  	_ =	shalt  }
0x6d: {  	_ =	shalt  }
0x6e: {  	_ =	shalt  }
0x6f: {  	_ =	shalt  }
0x70: {  	_ =	shalt  }
0x71: {  	_ =	shalt  }
0x72: {  	_ =	shalt  }
0x73: {  	_ =	shalt  }
0x74: {  	_ =	shalt  }
0x75: {  	_ =	shalt  }
0x76: {  	_ =	shalt  }
0x77: {  	_ =	shalt  }
0x78: {  	_ =	shalt  }
0x79: {  	_ =	shalt  }
0x7a: {  	_ =	shalt  }
0x7b: {  	_ =	shalt  }
0x7c: {  	_ =	shalt  }
0x7d: {  	_ =	shalt  }
0x7e: {  	_ =	shalt  }
0x7f: {  	_ =	shalt  }
0x80: {  	_ =	shalt  }
0x81: {  	_ =	shalt  }
0x82: {  	_ =	shalt  }
0x83: {  	_ =	shalt  }
0x84: {  	_ =	shalt  }
0x85: {  	_ =	shalt  }
0x86: {  	_ =	shalt  }
0x87: {  	_ =	shalt  }
.Lfunc_end0:
.L_simem_size_0:
called_computation_lowered:
.L_overlay_start_0:
0x88: {  	s2 =	sld [smem:$0x3FD9]  }
0x89: {  	s3 =	sld [smem:$0x3FFE];
	_ =	sdelay $0x1  }
0x8a: {  	s1 =	srdreg.scid  }
0x8b: {  	s0 =	sand.u32 $0x1, s1  }
0x8c: {  	s16 =	sshll.u32 s0, $0xA;
	s2 =	sadd.s32 s3, s2  }
0x8d: {  	s2 =	sadd.s32 s2, s16  }
0x8e: {  	[smem:$0x3FC2] =	sst s2  }
0x8f: {  	_ = 	snop  }
0x90: {  	(tm) =	ssettm $0x1  }
0x91: {  	s17 =	sld [smem:$0x3FFB];
	_ =	sdelay $0x3  }
0x92: {  	_ =	strace s17  }
0x93: {  	s2 =	sld [smem:$0x3FFC];
	_ =	sdelay $0x3  }
0x94: {  	_ =	strace s2  }
0x95: {  	s2 =	sld [smem:$0x3FFD];
	_ =	sdelay $0x3  }
0x96: {  	_ =	strace s2  }
0x97: {  	_ =	strace $0x8FFFFFFF  }
0x98: {  	s18 =	sld [smem:$0x3FDB];
	_ =	sdelay $0x1  }
0x99: {  	s19 =	simm.s32 $_scs_section_size  }
0x9a: {  	s4 =	simm.s32 $_size__tile_overlayer_lowered;
	s5 =	simm.s32 $_tile_overlayer_lowered  }
0x9b: {  	s22 =	simm.s32 $0x1BFF;
	s21 =	sshll.u32 s5, $0x1;
	s2 =	sadd.s32 s19, s18  }
0x9c: {  	s6 =	simm.s32 $0x0;
	s20 =	sshll.u32 s4, $0x1;
	s4 =	sadd.s32 s21, s2  }
0x9d: {  	[timem:s6], [sflag:s22] =	dma.local [hbm:s4], s20  }
0x9e: {  	_ =	swait.ge [sflag:s22], s20  }
0x9f: {  	s3 =	ssub.s32 $0x0, s20;
	[sflag:s22] =	ssyncset.done $0x0  }
0xa0: {  	[sflag:s22] =	ssyncadd.s32 s3;
	_ =	sdelay $0x1  }
0xa1: {  	s23 =	simm.s32 $0x1B8B  }
0xa2: {  	_ =	swait.ge [sflag:s23], $0x1  }
0xa3: {  	[sflag:s23] =	ssyncset.done $0x0  }
0xa4: {  	s25 =	simm.s32 $0x1B8E;
	s24 =	sld [smem:$0x3FFE];
	[sflag:s23] =	ssyncadd.s32 $0xFFFFFFFF  }
0xa5: {  	s26 =	simm.s32 $execute0_lowered;
	[smem:$0x3FD2] =	sst s25  }
0xa6: {  	s4 =	sshll.u32 s26, $0x1;
	_ =	strace $0x80000046;
	[dreg:$0x1] =	wrdreg $0xFFFFFFFF  }
0xa7: {  	s28 =	simm.s32 $_size_execute0_lowered;
	s2 =	sadd.s32 s2, s4;
	[dreg:$0x0] =	wrdreg $0x0  }
0xa8: {  	s4 =	sshll.u32 s28, $0x1;
	[dreg:$0x2] =	wrdreg s2  }
0xa9: {  	[dreg:$0x3] =	wrdreg s4  }
0xaa: {  	[dreg:$0x4] =	wrdreg $0xC0  }
0xab: {  	_ =	task [dreg:s6], $0x5FFFF  }
0xac: {  	[dreg:$0x1] =	wrdreg $0xFFFFFFFF  }
0xad: {  	[dreg:$0x0] =	wrdreg $0x60  }
0xae: {  	[dreg:$0x2] =	wrdreg s24  }
0xaf: {  	[dreg:$0x3] =	wrdreg $0x9  }
0xb0: {  	_ =	task.clear_ibuf [dreg:s6], $0x4FFFF;
	_ =	strace $0x90000046  }
0xb1: {  	s29 =	simm.s32 $0x9;
	_ =	strace $0x80000048  }
0xb2: {  	_ =	swait.ge [sflag:s29], $0x1  }
0xb3: {  	[sflag:s29] =	ssyncadd.s32 $0xFFFFFFFF  }
0xb4: {  	_ =	strace $0x90000048  }
0xb5: {  	_ =	sfence  }
0xb6: {  	s30 =	sld [smem:$0x0];
	_ =	sdelay $0x2  }
0xb7: {  	s31 =	sshll.u32 s1, $0xD;
	s1 =	sshrl.u32 s1, $0x2  }
0xb8: {  	s3 =	sand.u32 $0x4000, s31;
	s1 =	sadd.s32 s1, s30  }
0xb9: {  	s0 =	sor.u32 s3, s0;
	s1 =	sshll.u32 s1, $0x11  }
0xba: {  	s0 =	sor.u32 s1, s0  }
0xbb: {  	s0 =	sadd.s32 $0x8F2B, s0  }
0xbc: {  	[sflag:s0] =	ssyncadd.remote.s32 $0x1  }
0xbd: {  	_ =	sfence.sel $0xFFFF  }
0xbe: {  	[dreg:$0x0] =	wrdreg $0xFFFFFFFF;
	(pc) =	sbr.abs _section_cstart, $3  }
0xbf: {  	[dreg:$0x1] =	wrdreg $0xFFFFFFFF  }
0xc0: {  	_ =	task.clear_ibuf [dreg:s6], $0x2FFFF;
	_ =	strace $0x9FFFFFFF  }
0xc1: {  	(tm) =	ssettm $0x7FFFFFFF  }
tec
execute0_lowered:
.L_overlay_start_1:
0x0: {  	(tag) =	ssettag $0x1  }
0x1: {  	s1 =	srdreg.scid  }
0x2: {  	s0 =	stileid.u32;
	s4 =	rddreg [dreg:$0x0]  }
0x3: {  	s2 =	simm.s32 $0x0;
	s9 =	simm.s32 $0x8000;
	s10 =	simm.s32 $0xB200  }
0x4: {  	s11 =	simm.s32 $0x1;
	s12 =	simm.s32 $0xE400;
	s13 =	simm.s32 $0x0  }
0x5: {  	s17 =	simm.s32 $0x0;
	s3 =	sand.u32 $0x1, s1;
	s1 =	rddreg [dreg:$0x1]  }
0x6: {  	s5 =	sshll.u32 s0, $0x8;
	[smem:$0x7FF] =	sst s2;
	s6 =	sshll.u32 s3, $0x7  }
0x7: {  	_ =	strace $0x80000047;
	s7 =	ssub.s32 $0x2, s3;
	s5 =	sor.u32 s6, s5  }
0x8: {  	s3 =	sadd.s32 $0x4B4E00, s4;
	s8 =	sshrl.u32 s7, $0x1;
	s6 =	sshll.u32 s5, $0x5  }
0x9: {  	s5 =	sshll.u32 s5, $0x4;
	s7 =	ssub.s32 s7, s8;
	s6 =	sadd.s32 s6, s4  }
0xa: {  	s8 =	simm.s32 $0x64;
	s5 =	sadd.s32 s5, s4;
	s4 =	sadd.s32 $0x494E00, s6  }
0xb: {  	s5 =	sadd.s32 $0x1000, s5;
	s6 =	smax.u32 s7, $0x1;
	s7 =	simm.s32 $0x2  }
.LBB2_1:
0xc: {  	[tilespmem:s2], [sflag:$0x2] =	stream.linear.gather [hbm4b:s4+s2], $0x8000, $0x38;
	[tilespmem:$0x12400] =	vst v63  }
0xd: {  	_ =	swait.ge [sflag:s7], $0x8000  }
0xe: {  	[sflag:s7] =	ssyncset.done $0x0  }
0xf: {  	s14 =	simm.s32 $0x0;
	[sflag:s7] =	ssyncadd.s32 $0xFFFF8000  }
.LBB2_2:
0x10: {  	s15 =	sshll.u32 s14, $0x8  }
0x11: {  	s15 =	sand.u32 $0x3FFFFF00, s15  }
0x12: {  	[tilespmem:s9], [sflag:$0x1] =	stream.indirect.gather [hbm4b:s3+s8], $0x80, s15, s8, $0xb8;
	[tilespmem:$0x12400] =	vst v63  }
0x13: {  	s15 =	sor.u32 $0x80, s15  }
0x14: {  	[tilespmem:s10], [sflag:$0x1] =	stream.indirect.gather [hbm4b:s3+s8], $0x80, s15, s8, $0xb8;
	[tilespmem:$0x12400] =	vst v63  }
0x15: {  	_ =	swait.ge [sflag:s11], $0x3200  }
0x16: {  	[sflag:s11] =	ssyncset.done $0x0  }
0x17: {  	[sflag:s11] =	ssyncadd.s32 $0xFFFFCE00  }
0x18: {  	_ =	swait.ge [sflag:s11], $0x3200  }
0x19: {  	[sflag:s11] =	ssyncset.done $0x0  }
0x1a: {  	[sflag:s11] =	ssyncadd.s32 $0xFFFFCE00  }
0x1b: {  	v0 =	vld [tilespmem:s17+$0x8070]  }
0x1c: {  	v1 =	vld [tilespmem:s17+$0x8000]  }
0x1d: {  	v3 =	vld [tilespmem:s17+$0x8010]  }
0x1e: {  	v12 =	vld [tilespmem:s17+$0x8020]  }
0x1f: {  	v10 =	vld [tilespmem:s17+$0x8030]  }
0x20: {  	v2 =	vimm.f32 $0.0e+00;
	v5 =	vimm.f32 $0.0e+00;
	v6 =	vld [tilespmem:s17+$0x8040]  }
0x21: {  	v7 =	vimm.f32 $0.0e+00;
	v4 =	vimm.f32 $0.0e+00;
	v8 =	vld [tilespmem:s17+$0x8050];
	v0 =	vadd.f32 v0, v2  }
0x22: {  	s16 =	simm.s32 $0x400;
	s15 =	simm.s32 $0x80;
	v11 =	vld [tilespmem:s17+$0x8060];
	v9 =	vadd.f32 v1, v2;
	v3 =	vadd.f32 v3, v2;
	v1 =	vimm.f32 $0.0e+00  }
.LBB2_3:
0x23: {  	p0 =	sne.s32 s16, $0x18E00;
	v13 =	vld [tilespmem:s15+$0x8070];
	v2 =	vadd.f32 v12, v2  }
0x24: {  	v14 =	vld [tilespmem:s15+$0x8000];
	v5 =	vadd.f32 v10, v5  }
0x25: {  	v15 =	vld [tilespmem:s15+$0x8010];
	v7 =	vadd.f32 v6, v7  }
.Ltmp0:
0x26: {  	v12 =	vld [tilespmem:s15+$0x8020];
	v4 =	vadd.f32 v8, v4;
	(pc) =	sbr.rel @p0 .LBB2_3-.Ltmp0, $4  }
0x27: {  	v10 =	vld [tilespmem:s15+$0x8030];
	v1 =	vadd.f32 v11, v1  }
0x28: {  	v6 =	vld [tilespmem:s15+$0x8040];
	v0 =	vadd.f32 v13, v0  }
0x29: {  	v9 =	vadd.f32 v14, v9;
	v8 =	vld [tilespmem:s15+$0x8050]  }
0x2a: {  	v3 =	vadd.f32 v15, v3;
	v11 =	vld [tilespmem:s15+$0x8060];
	s15 =	sshra.s32 s16, $0x2;
	s16 =	sadd.s32 $0x200, s16  }
0x2b: {  	v14 =	vld [tilespmem:s15+$0x8000]  }
0x2c: {  	v15 =	vld [tilespmem:s15+$0x8010]  }
0x2d: {  	v16 =	vld [tilespmem:s15+$0x8020]  }
0x2e: {  	v17 =	vld [tilespmem:s15+$0x8030]  }
0x2f: {  	v18 =	vld [tilespmem:s15+$0x8040]  }
0x30: {  	v2 =	vadd.f32 v12, v2;
	v60 =	vld [tilespmem:s15+$0x8050];
	s16 =	sshll.u32 s14, $0x7;
	v9 =	vadd.f32 v14, v9  }
0x31: {  	v13 =	vld [tilespmem:s15+$0x8070];
	v5 =	vadd.f32 v10, v5;
	s31 =	sand.u32 $0x3FFFFF80, s16;
	v3 =	vadd.f32 v15, v3  }
0x32: {  	v61 =	vld [tilespmem:s15+$0x8060];
	v6 =	vadd.f32 v6, v7;
	v2 =	vadd.f32 v16, v2;
	[tilespmem:s31+$0xE400] =	vst v9  }
0x33: {  	s14 =	sadd.s32 $0x1, s14;
	v4 =	vadd.f32 v8, v4;
	v5 =	vadd.f32 v17, v5;
	[tilespmem:s31+$0xE410] =	vst v3  }
0x34: {  	p0 =	sne.s32 s14, $0x80;
	v62 =	vadd.f32 v18, v6;
	[tilespmem:s31+$0xE420] =	vst v2  }
.Ltmp1:
0x35: {  	v1 =	vadd.f32 v11, v1;
	v63 =	vadd.f32 v60, v4;
	[tilespmem:s31+$0xE430] =	vst v5;
	(pc) =	sbr.rel @p0 .LBB2_2-.Ltmp1, $4  }
0x36: {  	v0 =	vadd.f32 v13, v0;
	[tilespmem:s31+$0xE440] =	vst v62  }
0x37: {  	v1 =	vadd.f32 v61, v1;
	[tilespmem:s31+$0xE450] =	vst v63  }
0x38: {  	[tilespmem:s31+$0xE470] =	vst v0  }
0x39: {  	[tilespmem:s31+$0xE460] =	vst v1  }
0x3a: {  	s13 =	sadd.s32 $0x1, s13  }
0x3b: {  	p0 =	sne.s32 s13, s6  }
.Ltmp2:
0x3c: {  	_ = 	snop;
	(pc) =	sbr.rel @p0 .LBB2_1-.Ltmp2, $4  }
0x3d: {  	[hbm4b:s5+s2] =	stream.linear.scatter [tilespmem:s12], [sflag:$0x2], $0x4000, $0x38;
	[tilespmem:$0x12400] =	vst v63  }
0x3e: {  	_ =	swait.ge [sflag:s7], $0x4000  }
0x3f: {  	[sflag:s7] =	ssyncset.done $0x0  }
0x40: {  	[sflag:s7] =	ssyncadd.s32 $0xFFFFC000  }
0x41: {  	_ =	sfence.sel $0x180000  }
0x42: {  	[bflag:$0x0] =	sbarrier.arrive $0xFFFF  }
0x43: {  	p0 =	sne.s32 s0, $0x0;
	_ =	strace $0x90000047  }
0x44: {  	s0 =	sadd.s32 @!p0 $0x100000, s1;
	[bflag:$0x2] =	sbarrier.arrive $0xFFFF  }
0x45: {  	[sflag:s0] =	ssyncadd.tile.s32 @!p0 $0x1;
	_ =	shalt  }
.Lfunc_end2:
_tile_overlayer_lowered:
.L_overlay_start_2:
0x46: {  	(tag) =	ssettag $0x2  }
0x47: {  	s0 =	rddreg [dreg:$0x0];
	s2 =	stileid.u32  }
0x48: {  	s1 =	rddreg [dreg:$0x1];
	p0 =	sne.s32 s2, $0x0  }
0x49: {  	s3 =	rddreg [dreg:$0x2];
	[bflag:$0x3] =	sbarrier.arrive $0xFFFF;
	s2 =	simm.s32 @!p0 $0x1C02  }
0x4a: {  	[timem:s3], [sflag:s2] =	dma.local @!p0 [hbm:s0], s1  }
0x4b: {  	s0 =	simm.s32 @!p0 $0x2  }
0x4c: {  	_ =	swait.ge @!p0 [sflag:s0], s1  }
0x4d: {  	s1 =	ssub.s32 @!p0 $0x0, s1;
	[sflag:s0] =	ssyncset.done @!p0 $0x0  }
0x4e: {  	[sflag:s0] =	ssyncadd.s32 @!p0 s1  }
0x4f: {  	[bflag:$0x3] =	sbarrier.arrive $0xFFFF  }
0x50: {  	_ =	shalt  }

</sc_bundles>
